<compile_context>
chip_gen: v7x
topology: tpu7x:2x2x1
jax: 0.10.2.dev20260603
libtpu: 0.0.44.dev20260713+nightly
codegen_flags: <defaults>
</compile_context>

<pallas_src>
import functools

import jax
import jax.numpy as jnp
from jax import lax
from jax.experimental import pallas as pl
from jax.experimental.pallas import tpu as pltpu
from jax.experimental.pallas import tpu_sc as plsc

_NUM_STYLES = 1000
_STYLE_DIM = 64
_PAD_DIM = 128
_BATCH = 16384

_NC = 2
_NS = 16
_NW = _NC * _NS
_B_PER_W = _BATCH // _NW
_NCHUNK = 4
_B_CHUNK = _B_PER_W // _NCHUNK

_mesh = plsc.VectorSubcoreMesh(core_axis_name="c", subcore_axis_name="s")


@functools.partial(
    pl.kernel,
    mesh=_mesh,
    out_type=jax.ShapeDtypeStruct((_BATCH, _PAD_DIM), jnp.float32),
    scratch_types=[
        pltpu.VMEM((_B_PER_W,), jnp.int32),
        pltpu.VMEM((_B_PER_W, _PAD_DIM), jnp.float32),
        pltpu.VMEM_SHARED((_NUM_STYLES, _PAD_DIM), jnp.float32),
        [pltpu.SemaphoreType.DMA] * _NCHUNK,
        [pltpu.SemaphoreType.DMA] * _NCHUNK,
    ],
)
def _gather_kernel(table_hbm, idx_hbm, out_hbm, idx_v, rows_v, table_sp,
                   gsems, wsems):
    sid = lax.axis_index("s")
    wid = sid * _NC + lax.axis_index("c")
    base = wid * _B_PER_W

    @pl.when(sid == 0)
    def _stage():
        pltpu.sync_copy(table_hbm, table_sp)

    pltpu.sync_copy(idx_hbm.at[pl.ds(base, _B_PER_W)], idx_v)
    plsc.subcore_barrier()
    gathers = []
    for k in range(_NCHUNK):
        gathers.append(
            pltpu.async_copy(
                table_sp.at[idx_v.at[pl.ds(k * _B_CHUNK, _B_CHUNK)]],
                rows_v.at[pl.ds(k * _B_CHUNK, _B_CHUNK)],
                gsems[k],
            )
        )
    writes = []
    for k in range(_NCHUNK):
        gathers[k].wait()
        writes.append(
            pltpu.async_copy(
                rows_v.at[pl.ds(k * _B_CHUNK, _B_CHUNK)],
                out_hbm.at[pl.ds(base + k * _B_CHUNK, _B_CHUNK)],
                wsems[k],
            )
        )
    for k in range(_NCHUNK):
        writes[k].wait()


def kernel(style_id, embed_weight):
    table128 = jnp.pad(embed_weight, ((0, 0), (0, _PAD_DIM - _STYLE_DIM)))
    out128 = _gather_kernel(table128, style_id.astype(jnp.int32))
    return out128[:, :_STYLE_DIM]

# --- scband reference (transcript-rebuilt; emitter-appended) ---
"""Pipeline reference for scband-style-embedding-24335284699202 (READ-ONLY COPY).

The authoritative reference and input builder live on the scoring server;
editing this copy changes nothing except your own understanding.
"""

import jax, jax.numpy as jnp
import numpy as np

NUM_STYLES = 1000
STYLE_DIM = 64
BATCH = 16384

def setup_inputs(seed: int = 0) -> dict:
    key = jax.random.key(seed)
    k_idx, k_tab = jax.random.split(key)
    style_id = jax.random.randint(k_idx, (BATCH,), 0, NUM_STYLES, dtype=jnp.int64 if jax.config.jax_enable_x64 else jnp.int32)
    embed_weight = jax.random.normal(k_tab, (NUM_STYLES, STYLE_DIM), dtype=jnp.float32)
    return {"style_id": style_id, "embed_weight": embed_weight}

def reference(style_id, embed_weight):
    # nn.Embedding forward: gather rows of the table by index
    return jnp.take(embed_weight, style_id, axis=0)

if __name__ == "__main__":
    import jax
    _d = setup_inputs()
    print(jax.jit(kernel)(*tuple(_d.values())))

</pallas_src>

<mosaic_0001>
#map = affine_map<(d0, d1) -> (0, 0)>
#map1 = affine_map<(d0, d1) -> (0)>
module attributes {stable_mosaic.version = 14 : i64} {
  func.func @_gather_kernel(%arg0: i32, %arg1: i32, %arg2: memref<1000x128xf32, #tpu.memory_space<hbm>>, %arg3: memref<16384xi32, #tpu.memory_space<hbm>>, %arg4: memref<16384x128xf32, #tpu.memory_space<hbm>>, %arg5: memref<512xi32, #tpu.memory_space<vmem>>, %arg6: memref<512x128xf32, #tpu.memory_space<vmem>>, %arg7: memref<1000x128xf32, #tpu.memory_space<vmem_shared>>, %arg8: memref<!tpu.dma_semaphore, #tpu.memory_space<semaphore_mem>>, %arg9: memref<!tpu.dma_semaphore, #tpu.memory_space<semaphore_mem>>, %arg10: memref<!tpu.dma_semaphore, #tpu.memory_space<semaphore_mem>>, %arg11: memref<!tpu.dma_semaphore, #tpu.memory_space<semaphore_mem>>, %arg12: memref<!tpu.dma_semaphore, #tpu.memory_space<semaphore_mem>>, %arg13: memref<!tpu.dma_semaphore, #tpu.memory_space<semaphore_mem>>, %arg14: memref<!tpu.dma_semaphore, #tpu.memory_space<semaphore_mem>>, %arg15: memref<!tpu.dma_semaphore, #tpu.memory_space<semaphore_mem>>) attributes {dimension_semantics = [#tpu.dimension_semantics<core_parallel>, #tpu.dimension_semantics<subcore_parallel>], iteration_bounds = array<i64: 2, 16>, scalar_prefetch = 0 : i64, scratch_operands = 11 : i64, tpu.core_type = #tpu.core_type<sc_vector_subcore>, window_params = [{transform_indices = #map}, {transform_indices = #map1}, {transform_indices = #map}]} {
    %mul3A = arith.constant 2 : i32
    %mul3A_0 = arith.muli %arg1, %mul3A : i32
    %add3A = arith.addi %mul3A_0, %arg0 : i32
    %mul3A_1 = arith.constant 512 : i32
    %mul3A_2 = arith.muli %add3A, %mul3A_1 : i32
    %eq3A = arith.constant 0 : i32
    %eq3A_3 = arith.cmpi eq, %arg1, %eq3A : i32
    %convert_element_type3A = arith.extui %eq3A_3 : i1 to i32
    %cond3A = arith.constant 0 : i32
    %cond3A_4 = arith.cmpi ne, %convert_element_type3A, %cond3A : i32
    scf.if %cond3A_4 {
      "tpu.region"() ({
        %run_scoped3A = tpu.sem_alloc : memref<!tpu.dma_semaphore, #tpu.memory_space<semaphore_mem>>
        tpu.enqueue_dma source(%arg2 : memref<1000x128xf32, #tpu.memory_space<hbm>>) target(%arg7 : memref<1000x128xf32, #tpu.memory_space<vmem_shared>>) target_semaphore(%run_scoped3A : memref<!tpu.dma_semaphore, #tpu.memory_space<semaphore_mem>>)
        tpu.wait_dma2 semaphore(%run_scoped3A : memref<!tpu.dma_semaphore, #tpu.memory_space<semaphore_mem>>) src(%arg2 : memref<1000x128xf32, #tpu.memory_space<hbm>>) dst(%arg7 : memref<1000x128xf32, #tpu.memory_space<vmem_shared>>)
        tpu.yield
      }) : () -> ()
    } else {
    }
    "tpu.region"() ({
      %run_scoped3A = tpu.sem_alloc : memref<!tpu.dma_semaphore, #tpu.memory_space<semaphore_mem>>
      %dma_start3A_155 = tpu.memref_slice %arg3[%mul3A_2] : memref<16384xi32, #tpu.memory_space<hbm>> -> memref<512xi32, #tpu.memory_space<hbm>>
      %dma_start3A_156 = tpu.memref_slice %arg3[%mul3A_2] : memref<16384xi32, #tpu.memory_space<hbm>> -> memref<512xi32, #tpu.memory_space<hbm>>
      tpu.enqueue_dma source(%dma_start3A_156 : memref<512xi32, #tpu.memory_space<hbm>>) target(%arg5 : memref<512xi32, #tpu.memory_space<vmem>>) target_semaphore(%run_scoped3A : memref<!tpu.dma_semaphore, #tpu.memory_space<semaphore_mem>>)
      %dma_wait3A_157 = tpu.memref_slice %arg3[%mul3A_2] : memref<16384xi32, #tpu.memory_space<hbm>> -> memref<512xi32, #tpu.memory_space<hbm>>
      %dma_wait3A_158 = tpu.memref_slice %arg3[%mul3A_2] : memref<16384xi32, #tpu.memory_space<hbm>> -> memref<512xi32, #tpu.memory_space<hbm>>
      tpu.wait_dma2 semaphore(%run_scoped3A : memref<!tpu.dma_semaphore, #tpu.memory_space<semaphore_mem>>) src(%dma_wait3A_158 : memref<512xi32, #tpu.memory_space<hbm>>) dst(%arg5 : memref<512xi32, #tpu.memory_space<vmem>>)
      tpu.yield
    }) : () -> ()
    %barrier3A = arith.constant 0 : index
    tpu.barrier barrier_id(%barrier3A)
    %dma_start3A = arith.constant 0 : i32
    %dma_start3A_5 = arith.constant 0 : i32
    %dma_start3A_6 = tpu.memref_slice %arg6[%dma_start3A, %dma_start3A_5] : memref<512x128xf32, #tpu.memory_space<vmem>> -> memref<128x128xf32, #tpu.memory_space<vmem>>
    %dma_start3A_7 = arith.constant 0 : i32
    %dma_start3A_8 = tpu.memref_slice %arg5[%dma_start3A_7] : memref<512xi32, #tpu.memory_space<vmem>> -> memref<128xi32, #tpu.memory_space<vmem>>
    %dma_start3A_9 = arith.constant 0 : i32
    %dma_start3A_10 = arith.constant 0 : i32
    %dma_start3A_11 = tpu.memref_slice %arg7[%dma_start3A_9, %dma_start3A_10] : memref<1000x128xf32, #tpu.memory_space<vmem_shared>> -> memref<1000x128xf32, #tpu.memory_space<vmem_shared>>
    tpu.enqueue_indirect_dma source(%dma_start3A_11 : memref<1000x128xf32, #tpu.memory_space<vmem_shared>>) target(%dma_start3A_6 : memref<128x128xf32, #tpu.memory_space<vmem>>) offsets(%dma_start3A_8 : memref<128xi32, #tpu.memory_space<vmem>>) semaphore(%arg8 : memref<!tpu.dma_semaphore, #tpu.memory_space<semaphore_mem>>)
    %dma_start3A_12 = arith.constant 128 : i32
    %dma_start3A_13 = arith.constant 0 : i32
    %dma_start3A_14 = tpu.memref_slice %arg6[%dma_start3A_12, %dma_start3A_13] : memref<512x128xf32, #tpu.memory_space<vmem>> -> memref<128x128xf32, #tpu.memory_space<vmem>>
    %dma_start3A_15 = arith.constant 128 : i32
    %dma_start3A_16 = tpu.memref_slice %arg5[%dma_start3A_15] : memref<512xi32, #tpu.memory_space<vmem>> -> memref<128xi32, #tpu.memory_space<vmem>>
    %dma_start3A_17 = arith.constant 0 : i32
    %dma_start3A_18 = arith.constant 0 : i32
    %dma_start3A_19 = tpu.memref_slice %arg7[%dma_start3A_17, %dma_start3A_18] : memref<1000x128xf32, #tpu.memory_space<vmem_shared>> -> memref<1000x128xf32, #tpu.memory_space<vmem_shared>>
    tpu.enqueue_indirect_dma source(%dma_start3A_19 : memref<1000x128xf32, #tpu.memory_space<vmem_shared>>) target(%dma_start3A_14 : memref<128x128xf32, #tpu.memory_space<vmem>>) offsets(%dma_start3A_16 : memref<128xi32, #tpu.memory_space<vmem>>) semaphore(%arg9 : memref<!tpu.dma_semaphore, #tpu.memory_space<semaphore_mem>>)
    %dma_start3A_20 = arith.constant 256 : i32
    %dma_start3A_21 = arith.constant 0 : i32
    %dma_start3A_22 = tpu.memref_slice %arg6[%dma_start3A_20, %dma_start3A_21] : memref<512x128xf32, #tpu.memory_space<vmem>> -> memref<128x128xf32, #tpu.memory_space<vmem>>
    %dma_start3A_23 = arith.constant 256 : i32
    %dma_start3A_24 = tpu.memref_slice %arg5[%dma_start3A_23] : memref<512xi32, #tpu.memory_space<vmem>> -> memref<128xi32, #tpu.memory_space<vmem>>
    %dma_start3A_25 = arith.constant 0 : i32
    %dma_start3A_26 = arith.constant 0 : i32
    %dma_start3A_27 = tpu.memref_slice %arg7[%dma_start3A_25, %dma_start3A_26] : memref<1000x128xf32, #tpu.memory_space<vmem_shared>> -> memref<1000x128xf32, #tpu.memory_space<vmem_shared>>
    tpu.enqueue_indirect_dma source(%dma_start3A_27 : memref<1000x128xf32, #tpu.memory_space<vmem_shared>>) target(%dma_start3A_22 : memref<128x128xf32, #tpu.memory_space<vmem>>) offsets(%dma_start3A_24 : memref<128xi32, #tpu.memory_space<vmem>>) semaphore(%arg10 : memref<!tpu.dma_semaphore, #tpu.memory_space<semaphore_mem>>)
    %dma_start3A_28 = arith.constant 384 : i32
    %dma_start3A_29 = arith.constant 0 : i32
    %dma_start3A_30 = tpu.memref_slice %arg6[%dma_start3A_28, %dma_start3A_29] : memref<512x128xf32, #tpu.memory_space<vmem>> -> memref<128x128xf32, #tpu.memory_space<vmem>>
    %dma_start3A_31 = arith.constant 384 : i32
    %dma_start3A_32 = tpu.memref_slice %arg5[%dma_start3A_31] : memref<512xi32, #tpu.memory_space<vmem>> -> memref<128xi32, #tpu.memory_space<vmem>>
    %dma_start3A_33 = arith.constant 0 : i32
    %dma_start3A_34 = arith.constant 0 : i32
    %dma_start3A_35 = tpu.memref_slice %arg7[%dma_start3A_33, %dma_start3A_34] : memref<1000x128xf32, #tpu.memory_space<vmem_shared>> -> memref<1000x128xf32, #tpu.memory_space<vmem_shared>>
    tpu.enqueue_indirect_dma source(%dma_start3A_35 : memref<1000x128xf32, #tpu.memory_space<vmem_shared>>) target(%dma_start3A_30 : memref<128x128xf32, #tpu.memory_space<vmem>>) offsets(%dma_start3A_32 : memref<128xi32, #tpu.memory_space<vmem>>) semaphore(%arg11 : memref<!tpu.dma_semaphore, #tpu.memory_space<semaphore_mem>>)
    %dma_wait3A = arith.constant 0 : i32
    %dma_wait3A_36 = arith.constant 0 : i32
    %dma_wait3A_37 = tpu.memref_slice %arg6[%dma_wait3A, %dma_wait3A_36] : memref<512x128xf32, #tpu.memory_space<vmem>> -> memref<128x128xf32, #tpu.memory_space<vmem>>
    %dma_wait3A_38 = arith.constant 0 : i32
    %dma_wait3A_39 = tpu.memref_slice %arg5[%dma_wait3A_38] : memref<512xi32, #tpu.memory_space<vmem>> -> memref<128xi32, #tpu.memory_space<vmem>>
    %dma_wait3A_40 = arith.constant 0 : i32
    %dma_wait3A_41 = arith.constant 0 : i32
    %dma_wait3A_42 = tpu.memref_slice %arg7[%dma_wait3A_40, %dma_wait3A_41] : memref<1000x128xf32, #tpu.memory_space<vmem_shared>> -> memref<1000x128xf32, #tpu.memory_space<vmem_shared>>
    tpu.wait_indirect_dma semaphore(%arg8 : memref<!tpu.dma_semaphore, #tpu.memory_space<semaphore_mem>>) src(%dma_wait3A_42 : memref<1000x128xf32, #tpu.memory_space<vmem_shared>>) dst(%dma_wait3A_37 : memref<128x128xf32, #tpu.memory_space<vmem>>)
    %add3A_43 = arith.constant 0 : i32
    %add3A_44 = arith.addi %mul3A_2, %add3A_43 : i32
    %dma_start3A_45 = arith.constant 0 : i32
    %dma_start3A_46 = arith.constant 0 : i32
    %dma_start3A_47 = tpu.memref_slice %arg6[%dma_start3A_45, %dma_start3A_46] : memref<512x128xf32, #tpu.memory_space<vmem>> -> memref<128x128xf32, #tpu.memory_space<vmem>>
    %dma_start3A_48 = arith.constant 0 : i32
    %dma_start3A_49 = tpu.memref_slice %arg4[%add3A_44, %dma_start3A_48] : memref<16384x128xf32, #tpu.memory_space<hbm>> -> memref<128x128xf32, #tpu.memory_space<hbm>>
    %dma_start3A_50 = arith.constant 0 : i32
    %dma_start3A_51 = tpu.memref_slice %arg4[%add3A_44, %dma_start3A_50] : memref<16384x128xf32, #tpu.memory_space<hbm>> -> memref<128x128xf32, #tpu.memory_space<hbm>>
    %dma_start3A_52 = arith.constant 0 : i32
    %dma_start3A_53 = arith.constant 0 : i32
    %dma_start3A_54 = tpu.memref_slice %arg6[%dma_start3A_52, %dma_start3A_53] : memref<512x128xf32, #tpu.memory_space<vmem>> -> memref<128x128xf32, #tpu.memory_space<vmem>>
    tpu.enqueue_dma source(%dma_start3A_54 : memref<128x128xf32, #tpu.memory_space<vmem>>) target(%dma_start3A_51 : memref<128x128xf32, #tpu.memory_space<hbm>>) target_semaphore(%arg12 : memref<!tpu.dma_semaphore, #tpu.memory_space<semaphore_mem>>)
    %dma_wait3A_55 = arith.constant 128 : i32
    %dma_wait3A_56 = arith.constant 0 : i32
    %dma_wait3A_57 = tpu.memref_slice %arg6[%dma_wait3A_55, %dma_wait3A_56] : memref<512x128xf32, #tpu.memory_space<vmem>> -> memref<128x128xf32, #tpu.memory_space<vmem>>
    %dma_wait3A_58 = arith.constant 128 : i32
    %dma_wait3A_59 = tpu.memref_slice %arg5[%dma_wait3A_58] : memref<512xi32, #tpu.memory_space<vmem>> -> memref<128xi32, #tpu.memory_space<vmem>>
    %dma_wait3A_60 = arith.constant 0 : i32
    %dma_wait3A_61 = arith.constant 0 : i32
    %dma_wait3A_62 = tpu.memref_slice %arg7[%dma_wait3A_60, %dma_wait3A_61] : memref<1000x128xf32, #tpu.memory_space<vmem_shared>> -> memref<1000x128xf32, #tpu.memory_space<vmem_shared>>
    tpu.wait_indirect_dma semaphore(%arg9 : memref<!tpu.dma_semaphore, #tpu.memory_space<semaphore_mem>>) src(%dma_wait3A_62 : memref<1000x128xf32, #tpu.memory_space<vmem_shared>>) dst(%dma_wait3A_57 : memref<128x128xf32, #tpu.memory_space<vmem>>)
    %add3A_63 = arith.constant 128 : i32
    %add3A_64 = arith.addi %mul3A_2, %add3A_63 : i32
    %dma_start3A_65 = arith.constant 128 : i32
    %dma_start3A_66 = arith.constant 0 : i32
    %dma_start3A_67 = tpu.memref_slice %arg6[%dma_start3A_65, %dma_start3A_66] : memref<512x128xf32, #tpu.memory_space<vmem>> -> memref<128x128xf32, #tpu.memory_space<vmem>>
    %dma_start3A_68 = arith.constant 0 : i32
    %dma_start3A_69 = tpu.memref_slice %arg4[%add3A_64, %dma_start3A_68] : memref<16384x128xf32, #tpu.memory_space<hbm>> -> memref<128x128xf32, #tpu.memory_space<hbm>>
    %dma_start3A_70 = arith.constant 0 : i32
    %dma_start3A_71 = tpu.memref_slice %arg4[%add3A_64, %dma_start3A_70] : memref<16384x128xf32, #tpu.memory_space<hbm>> -> memref<128x128xf32, #tpu.memory_space<hbm>>
    %dma_start3A_72 = arith.constant 128 : i32
    %dma_start3A_73 = arith.constant 0 : i32
    %dma_start3A_74 = tpu.memref_slice %arg6[%dma_start3A_72, %dma_start3A_73] : memref<512x128xf32, #tpu.memory_space<vmem>> -> memref<128x128xf32, #tpu.memory_space<vmem>>
    tpu.enqueue_dma source(%dma_start3A_74 : memref<128x128xf32, #tpu.memory_space<vmem>>) target(%dma_start3A_71 : memref<128x128xf32, #tpu.memory_space<hbm>>) target_semaphore(%arg13 : memref<!tpu.dma_semaphore, #tpu.memory_space<semaphore_mem>>)
    %dma_wait3A_75 = arith.constant 256 : i32
    %dma_wait3A_76 = arith.constant 0 : i32
    %dma_wait3A_77 = tpu.memref_slice %arg6[%dma_wait3A_75, %dma_wait3A_76] : memref<512x128xf32, #tpu.memory_space<vmem>> -> memref<128x128xf32, #tpu.memory_space<vmem>>
    %dma_wait3A_78 = arith.constant 256 : i32
    %dma_wait3A_79 = tpu.memref_slice %arg5[%dma_wait3A_78] : memref<512xi32, #tpu.memory_space<vmem>> -> memref<128xi32, #tpu.memory_space<vmem>>
    %dma_wait3A_80 = arith.constant 0 : i32
    %dma_wait3A_81 = arith.constant 0 : i32
    %dma_wait3A_82 = tpu.memref_slice %arg7[%dma_wait3A_80, %dma_wait3A_81] : memref<1000x128xf32, #tpu.memory_space<vmem_shared>> -> memref<1000x128xf32, #tpu.memory_space<vmem_shared>>
    tpu.wait_indirect_dma semaphore(%arg10 : memref<!tpu.dma_semaphore, #tpu.memory_space<semaphore_mem>>) src(%dma_wait3A_82 : memref<1000x128xf32, #tpu.memory_space<vmem_shared>>) dst(%dma_wait3A_77 : memref<128x128xf32, #tpu.memory_space<vmem>>)
    %add3A_83 = arith.constant 256 : i32
    %add3A_84 = arith.addi %mul3A_2, %add3A_83 : i32
    %dma_start3A_85 = arith.constant 256 : i32
    %dma_start3A_86 = arith.constant 0 : i32
    %dma_start3A_87 = tpu.memref_slice %arg6[%dma_start3A_85, %dma_start3A_86] : memref<512x128xf32, #tpu.memory_space<vmem>> -> memref<128x128xf32, #tpu.memory_space<vmem>>
    %dma_start3A_88 = arith.constant 0 : i32
    %dma_start3A_89 = tpu.memref_slice %arg4[%add3A_84, %dma_start3A_88] : memref<16384x128xf32, #tpu.memory_space<hbm>> -> memref<128x128xf32, #tpu.memory_space<hbm>>
    %dma_start3A_90 = arith.constant 0 : i32
    %dma_start3A_91 = tpu.memref_slice %arg4[%add3A_84, %dma_start3A_90] : memref<16384x128xf32, #tpu.memory_space<hbm>> -> memref<128x128xf32, #tpu.memory_space<hbm>>
    %dma_start3A_92 = arith.constant 256 : i32
    %dma_start3A_93 = arith.constant 0 : i32
    %dma_start3A_94 = tpu.memref_slice %arg6[%dma_start3A_92, %dma_start3A_93] : memref<512x128xf32, #tpu.memory_space<vmem>> -> memref<128x128xf32, #tpu.memory_space<vmem>>
    tpu.enqueue_dma source(%dma_start3A_94 : memref<128x128xf32, #tpu.memory_space<vmem>>) target(%dma_start3A_91 : memref<128x128xf32, #tpu.memory_space<hbm>>) target_semaphore(%arg14 : memref<!tpu.dma_semaphore, #tpu.memory_space<semaphore_mem>>)
    %dma_wait3A_95 = arith.constant 384 : i32
    %dma_wait3A_96 = arith.constant 0 : i32
    %dma_wait3A_97 = tpu.memref_slice %arg6[%dma_wait3A_95, %dma_wait3A_96] : memref<512x128xf32, #tpu.memory_space<vmem>> -> memref<128x128xf32, #tpu.memory_space<vmem>>
    %dma_wait3A_98 = arith.constant 384 : i32
    %dma_wait3A_99 = tpu.memref_slice %arg5[%dma_wait3A_98] : memref<512xi32, #tpu.memory_space<vmem>> -> memref<128xi32, #tpu.memory_space<vmem>>
    %dma_wait3A_100 = arith.constant 0 : i32
    %dma_wait3A_101 = arith.constant 0 : i32
    %dma_wait3A_102 = tpu.memref_slice %arg7[%dma_wait3A_100, %dma_wait3A_101] : memref<1000x128xf32, #tpu.memory_space<vmem_shared>> -> memref<1000x128xf32, #tpu.memory_space<vmem_shared>>
    tpu.wait_indirect_dma semaphore(%arg11 : memref<!tpu.dma_semaphore, #tpu.memory_space<semaphore_mem>>) src(%dma_wait3A_102 : memref<1000x128xf32, #tpu.memory_space<vmem_shared>>) dst(%dma_wait3A_97 : memref<128x128xf32, #tpu.memory_space<vmem>>)
    %add3A_103 = arith.constant 384 : i32
    %add3A_104 = arith.addi %mul3A_2, %add3A_103 : i32
    %dma_start3A_105 = arith.constant 384 : i32
    %dma_start3A_106 = arith.constant 0 : i32
    %dma_start3A_107 = tpu.memref_slice %arg6[%dma_start3A_105, %dma_start3A_106] : memref<512x128xf32, #tpu.memory_space<vmem>> -> memref<128x128xf32, #tpu.memory_space<vmem>>
    %dma_start3A_108 = arith.constant 0 : i32
    %dma_start3A_109 = tpu.memref_slice %arg4[%add3A_104, %dma_start3A_108] : memref<16384x128xf32, #tpu.memory_space<hbm>> -> memref<128x128xf32, #tpu.memory_space<hbm>>
    %dma_start3A_110 = arith.constant 0 : i32
    %dma_start3A_111 = tpu.memref_slice %arg4[%add3A_104, %dma_start3A_110] : memref<16384x128xf32, #tpu.memory_space<hbm>> -> memref<128x128xf32, #tpu.memory_space<hbm>>
    %dma_start3A_112 = arith.constant 384 : i32
    %dma_start3A_113 = arith.constant 0 : i32
    %dma_start3A_114 = tpu.memref_slice %arg6[%dma_start3A_112, %dma_start3A_113] : memref<512x128xf32, #tpu.memory_space<vmem>> -> memref<128x128xf32, #tpu.memory_space<vmem>>
    tpu.enqueue_dma source(%dma_start3A_114 : memref<128x128xf32, #tpu.memory_space<vmem>>) target(%dma_start3A_111 : memref<128x128xf32, #tpu.memory_space<hbm>>) target_semaphore(%arg15 : memref<!tpu.dma_semaphore, #tpu.memory_space<semaphore_mem>>)
    %dma_wait3A_115 = arith.constant 0 : i32
    %dma_wait3A_116 = arith.constant 0 : i32
    %dma_wait3A_117 = tpu.memref_slice %arg6[%dma_wait3A_115, %dma_wait3A_116] : memref<512x128xf32, #tpu.memory_space<vmem>> -> memref<128x128xf32, #tpu.memory_space<vmem>>
    %dma_wait3A_118 = arith.constant 0 : i32
    %dma_wait3A_119 = tpu.memref_slice %arg4[%add3A_44, %dma_wait3A_118] : memref<16384x128xf32, #tpu.memory_space<hbm>> -> memref<128x128xf32, #tpu.memory_space<hbm>>
    %dma_wait3A_120 = arith.constant 0 : i32
    %dma_wait3A_121 = tpu.memref_slice %arg4[%add3A_44, %dma_wait3A_120] : memref<16384x128xf32, #tpu.memory_space<hbm>> -> memref<128x128xf32, #tpu.memory_space<hbm>>
    %dma_wait3A_122 = arith.constant 0 : i32
    %dma_wait3A_123 = arith.constant 0 : i32
    %dma_wait3A_124 = tpu.memref_slice %arg6[%dma_wait3A_122, %dma_wait3A_123] : memref<512x128xf32, #tpu.memory_space<vmem>> -> memref<128x128xf32, #tpu.memory_space<vmem>>
    tpu.wait_dma2 semaphore(%arg12 : memref<!tpu.dma_semaphore, #tpu.memory_space<semaphore_mem>>) src(%dma_wait3A_124 : memref<128x128xf32, #tpu.memory_space<vmem>>) dst(%dma_wait3A_121 : memref<128x128xf32, #tpu.memory_space<hbm>>)
    %dma_wait3A_125 = arith.constant 128 : i32
    %dma_wait3A_126 = arith.constant 0 : i32
    %dma_wait3A_127 = tpu.memref_slice %arg6[%dma_wait3A_125, %dma_wait3A_126] : memref<512x128xf32, #tpu.memory_space<vmem>> -> memref<128x128xf32, #tpu.memory_space<vmem>>
    %dma_wait3A_128 = arith.constant 0 : i32
    %dma_wait3A_129 = tpu.memref_slice %arg4[%add3A_64, %dma_wait3A_128] : memref<16384x128xf32, #tpu.memory_space<hbm>> -> memref<128x128xf32, #tpu.memory_space<hbm>>
    %dma_wait3A_130 = arith.constant 0 : i32
    %dma_wait3A_131 = tpu.memref_slice %arg4[%add3A_64, %dma_wait3A_130] : memref<16384x128xf32, #tpu.memory_space<hbm>> -> memref<128x128xf32, #tpu.memory_space<hbm>>
    %dma_wait3A_132 = arith.constant 128 : i32
    %dma_wait3A_133 = arith.constant 0 : i32
    %dma_wait3A_134 = tpu.memref_slice %arg6[%dma_wait3A_132, %dma_wait3A_133] : memref<512x128xf32, #tpu.memory_space<vmem>> -> memref<128x128xf32, #tpu.memory_space<vmem>>
    tpu.wait_dma2 semaphore(%arg13 : memref<!tpu.dma_semaphore, #tpu.memory_space<semaphore_mem>>) src(%dma_wait3A_134 : memref<128x128xf32, #tpu.memory_space<vmem>>) dst(%dma_wait3A_131 : memref<128x128xf32, #tpu.memory_space<hbm>>)
    %dma_wait3A_135 = arith.constant 256 : i32
    %dma_wait3A_136 = arith.constant 0 : i32
    %dma_wait3A_137 = tpu.memref_slice %arg6[%dma_wait3A_135, %dma_wait3A_136] : memref<512x128xf32, #tpu.memory_space<vmem>> -> memref<128x128xf32, #tpu.memory_space<vmem>>
    %dma_wait3A_138 = arith.constant 0 : i32
    %dma_wait3A_139 = tpu.memref_slice %arg4[%add3A_84, %dma_wait3A_138] : memref<16384x128xf32, #tpu.memory_space<hbm>> -> memref<128x128xf32, #tpu.memory_space<hbm>>
    %dma_wait3A_140 = arith.constant 0 : i32
    %dma_wait3A_141 = tpu.memref_slice %arg4[%add3A_84, %dma_wait3A_140] : memref<16384x128xf32, #tpu.memory_space<hbm>> -> memref<128x128xf32, #tpu.memory_space<hbm>>
    %dma_wait3A_142 = arith.constant 256 : i32
    %dma_wait3A_143 = arith.constant 0 : i32
    %dma_wait3A_144 = tpu.memref_slice %arg6[%dma_wait3A_142, %dma_wait3A_143] : memref<512x128xf32, #tpu.memory_space<vmem>> -> memref<128x128xf32, #tpu.memory_space<vmem>>
    tpu.wait_dma2 semaphore(%arg14 : memref<!tpu.dma_semaphore, #tpu.memory_space<semaphore_mem>>) src(%dma_wait3A_144 : memref<128x128xf32, #tpu.memory_space<vmem>>) dst(%dma_wait3A_141 : memref<128x128xf32, #tpu.memory_space<hbm>>)
    %dma_wait3A_145 = arith.constant 384 : i32
    %dma_wait3A_146 = arith.constant 0 : i32
    %dma_wait3A_147 = tpu.memref_slice %arg6[%dma_wait3A_145, %dma_wait3A_146] : memref<512x128xf32, #tpu.memory_space<vmem>> -> memref<128x128xf32, #tpu.memory_space<vmem>>
    %dma_wait3A_148 = arith.constant 0 : i32
    %dma_wait3A_149 = tpu.memref_slice %arg4[%add3A_104, %dma_wait3A_148] : memref<16384x128xf32, #tpu.memory_space<hbm>> -> memref<128x128xf32, #tpu.memory_space<hbm>>
    %dma_wait3A_150 = arith.constant 0 : i32
    %dma_wait3A_151 = tpu.memref_slice %arg4[%add3A_104, %dma_wait3A_150] : memref<16384x128xf32, #tpu.memory_space<hbm>> -> memref<128x128xf32, #tpu.memory_space<hbm>>
    %dma_wait3A_152 = arith.constant 384 : i32
    %dma_wait3A_153 = arith.constant 0 : i32
    %dma_wait3A_154 = tpu.memref_slice %arg6[%dma_wait3A_152, %dma_wait3A_153] : memref<512x128xf32, #tpu.memory_space<vmem>> -> memref<128x128xf32, #tpu.memory_space<vmem>>
    tpu.wait_dma2 semaphore(%arg15 : memref<!tpu.dma_semaphore, #tpu.memory_space<semaphore_mem>>) src(%dma_wait3A_154 : memref<128x128xf32, #tpu.memory_space<vmem>>) dst(%dma_wait3A_151 : memref<128x128xf32, #tpu.memory_space<hbm>>)
    return
  }
}

</mosaic_0001>

<sc_bundles>
// kernel: kernel.3.cloned.1.call-start
scs
__scs_entry_jumppad:
0x0: {  	(pc) =	sbr.rel $0x88, $3  }
0x1: {  	(tag) =	ssettag $0x0;
	lr =	simm.s32 $0x1  }
0x2: {  	[smem:$0x3F9F] =	sst lr;
	_ =	strace $0xD0000000  }
0x3: {  	_ = 	snop  }
0x4: {  	_ = 	snop  }
0x5: {  	_ = 	snop  }
0x6: {  	_ = 	snop  }
0x7: {  	_ = 	snop  }
__scs_overlays_trampoline_lowered:
0x8: {  	[smem:$0x3FAE] =	sst s0  }
0x9: {  	[smem:$0x3FAF] =	sst s1  }
0xa: {  	[smem:$0x3FB0] =	sst s2  }
0xb: {  	[smem:$0x3FB1] =	sst s3  }
0xc: {  	[smem:$0x3FB2] =	sst s4  }
0xd: {  	[smem:$0x3FB3] =	sst s5  }
0xe: {  	[smem:$0x3FB4] =	sst s6  }
0xf: {  	[smem:$0x3FB5] =	sst s7  }
0x10: {  	[smem:$0x3FB6] =	sst s8  }
0x11: {  	[smem:$0x3FB7] =	sst s9;
	s0 =	simm.s32 @!p0 $0x0  }
0x12: {  	s1 =	sld [smem:$0x3F9D];
	s0 =	simm.s32 @p0 $0x1  }
0x13: {  	[smem:$0x3FB8] =	sst s0;
	s0 =	simm.s32 @!p1 $0x0  }
0x14: {  	s2 =	sld [smem:$0x3F9C];
	s0 =	simm.s32 @p1 $0x1  }
0x15: {  	[smem:$0x3FB9] =	sst s0;
	s0 =	simm.s32 @!p2 $0x0  }
0x16: {  	s3 =	sld [smem:$0x3FDB];
	s0 =	simm.s32 @p2 $0x1  }
0x17: {  	s4 =	simm.s32 $0x1BF5;
	[smem:$0x3FBB] =	sst s0  }
0x18: {  	s0 =	sld [smem:$0x3F9E];
	_ =	swait.ge [sflag:s4], $0x0  }
0x19: {  	s7 =	sld [smem:$0x3F9F]  }
0x1a: {  	s8 =	sadd.s32 $0xFFFFE003, lr  }
0x1b: {  	s9 =	sadd.s32 $0xFFFFFEF7, lr;
	s5 =	simm.s32 $0xFFFFFFFF;
	p2 =	slt.u32 s8, $0xFFFFF086  }
0x1c: {  	p1 =	slt.u32 s9, $0xF7A;
	s5 =	simm.s32 @!p2 $0x0  }
0x1d: {  	s5 =	simm.s32 @p1 $0x1;
	p0 =	seq.s32 s7, s2  }
0x1e: {  	s7 =	smul.u32 @!p0 $0xF7A, s2;
	p2 =	seq.s32 @!p0 s5, $0x0  }
0x1f: {  	s9 =	smul.u32 $0xF7A, s1;
	s8 =	simm.s32 @!p0 $0x1BF5;
	p2 =	por !p2, p0  }
0x20: {  	[sflag:s8] =	ssyncset.s32 @!p0 $0xFFFFF086;
	s6 =	sadd.s32 @!p0 s3, s7;
	s7 =	simm.s32 @!p0 $0x108  }
0x21: {  	s3 =	sadd.s32 s3, s9;
	s6 =	sadd.s32 @!p0 $0x88, s6;
	s7 =	simm.s32 @p2 $0x1082  }
0x22: {  	[simem:s7], [sflag:s8] =	dma.local @!p0 [hbm:s6], $0xF7A  }
0x23: {  	s9 =	sor.u32 $0xD0000000, s2;
	s6 =	simm.s32 $0x108;
	_ =	swait.ge @!p0 [sflag:s8], $0x0  }
0x24: {  	s3 =	sadd.s32 $0x88, s3;
	s6 =	simm.s32 @!p1 $0x1082;
	[sflag:s4] =	ssyncset.s32 $0xFFFFF086  }
0x25: {  	[simem:s6], [sflag:s4] =	dma.local [hbm:s3], $0xF7A  }
0x26: {  	[smem:$0x3F9F] =	sst s1;
	(tag) =	ssettag s2;
	_ =	strace s9  }
0x27: {  	s1 =	sld [smem:$0x3FAF]  }
0x28: {  	s2 =	sld [smem:$0x3FB0]  }
0x29: {  	s4 =	sld [smem:$0x3FB2]  }
0x2a: {  	p0 =	seq.s32 s5, $0x0;
	s5 =	sld [smem:$0x3FB3]  }
0x2b: {  	s6 =	sld [smem:$0x3FB4]  }
0x2c: {  	s7 =	sld [smem:$0x3FB5]  }
0x2d: {  	s3 =	simm.s32 $0x108;
	s8 =	sld [smem:$0x3FB6]  }
0x2e: {  	s3 =	simm.s32 @!p0 $0x1082;
	s9 =	sld [smem:$0x3FB7]  }
0x2f: {  	lr =	sadd.s32 s0, s3;
	s0 =	sld [smem:$0x3FAE]  }
0x30: {  	s3 =	sld [smem:$0x3FB1]  }
0x31: {  	[smem:$0x3FBA] =	sst s10  }
0x32: {  	s10 =	sld [smem:$0x3FB8];
	_ =	sdelay $0x3  }
0x33: {  	p0 =	seq.s32 s10, $0x1;
	s10 =	sld [smem:$0x3FBA];
	_ =	sdelay $0x3  }
0x34: {  	[smem:$0x3FBA] =	sst s10  }
0x35: {  	s10 =	sld [smem:$0x3FB9];
	_ =	sdelay $0x3  }
0x36: {  	p1 =	seq.s32 s10, $0x1;
	s10 =	sld [smem:$0x3FBA];
	_ =	sdelay $0x3  }
0x37: {  	[smem:$0x3FBA] =	sst s10  }
0x38: {  	s10 =	sld [smem:$0x3FBB]  }
0x39: {  	_ = 	snop;
	(pc) =	sbr.ind lr, $3  }
0x3a: {  	_ = 	snop  }
0x3b: {  	_ = 	snop  }
0x3c: {  	p2 =	seq.s32 s10, $0x1;
	s10 =	sld [smem:$0x3FBA]  }
0x3d: {  	_ =	shalt  }
0x3e: {  	_ =	shalt  }
0x3f: {  	_ =	shalt  }
0x40: {  	_ =	shalt  }
0x41: {  	_ =	shalt  }
0x42: {  	_ =	shalt  }
0x43: {  	_ =	shalt  }
0x44: {  	_ =	shalt  }
0x45: {  	_ =	shalt  }
0x46: {  	_ =	shalt  }
0x47: {  	_ =	shalt  }
0x48: {  	_ =	shalt  }
0x49: {  	_ =	shalt  }
0x4a: {  	_ =	shalt  }
0x4b: {  	_ =	shalt  }
0x4c: {  	_ =	shalt  }
0x4d: {  	_ =	shalt  }
0x4e: {  	_ =	shalt  }
0x4f: {  	_ =	shalt  }
0x50: {  	_ =	shalt  }
0x51: {  	_ =	shalt  }
0x52: {  	_ =	shalt  }
0x53: {  	_ =	shalt  }
0x54: {  	_ =	shalt  }
0x55: {  	_ =	shalt  }
0x56: {  	_ =	shalt  }
0x57: {  	_ =	shalt  }
0x58: {  	_ =	shalt  }
0x59: {  	_ =	shalt  }
0x5a: {  	_ =	shalt  }
0x5b: {  	_ =	shalt  }
0x5c: {  	_ =	shalt  }
0x5d: {  	_ =	shalt  }
0x5e: {  	_ =	shalt  }
0x5f: {  	_ =	shalt  }
0x60: {  	_ =	shalt  }
0x61: {  	_ =	shalt  }
0x62: {  	_ =	shalt  }
0x63: {  	_ =	shalt  }
0x64: {  	_ =	shalt  }
0x65: {  	_ =	shalt  }
0x66: {  	_ =	shalt  }
0x67: {  	_ =	shalt  }
0x68: {  	_ =	shalt  }
0x69: {  	_ =	shalt  }
0x6a: {  	_ =	shalt  }
0x6b: {  	_ =	shalt  }
0x6c: {  	_ =	shalt  }
0x6d: {  	_ =	shalt  }
0x6e: {  	_ =	shalt  }
0x6f: {  	_ =	shalt  }
0x70: {  	_ =	shalt  }
0x71: {  	_ =	shalt  }
0x72: {  	_ =	shalt  }
0x73: {  	_ =	shalt  }
0x74: {  	_ =	shalt  }
0x75: {  	_ =	shalt  }
0x76: {  	_ =	shalt  }
0x77: {  	_ =	shalt  }
0x78: {  	_ =	shalt  }
0x79: {  	_ =	shalt  }
0x7a: {  	_ =	shalt  }
0x7b: {  	_ =	shalt  }
0x7c: {  	_ =	shalt  }
0x7d: {  	_ =	shalt  }
0x7e: {  	_ =	shalt  }
0x7f: {  	_ =	shalt  }
0x80: {  	_ =	shalt  }
0x81: {  	_ =	shalt  }
0x82: {  	_ =	shalt  }
0x83: {  	_ =	shalt  }
0x84: {  	_ =	shalt  }
0x85: {  	_ =	shalt  }
0x86: {  	_ =	shalt  }
0x87: {  	_ =	shalt  }
.Lfunc_end0:
.L_simem_size_0:
called_computation_lowered:
.L_overlay_start_0:
0x88: {  	s2 =	sld [smem:$0x3FD9]  }
0x89: {  	s3 =	sld [smem:$0x3FFE];
	_ =	sdelay $0x1  }
0x8a: {  	s1 =	srdreg.scid  }
0x8b: {  	s0 =	sand.u32 $0x1, s1  }
0x8c: {  	s17 =	sshll.u32 s0, $0xA;
	s2 =	sadd.s32 s3, s2  }
0x8d: {  	s2 =	sadd.s32 s2, s17  }
0x8e: {  	[smem:$0x3FC6] =	sst s2  }
0x8f: {  	_ = 	snop  }
0x90: {  	s2 =	sld [smem:$0x3FC9]  }
0x91: {  	s18 =	sld [smem:$0x3FD0];
	(tm) =	ssettm $0x1  }
0x92: {  	s4 =	sld [smem:$0x3FFB];
	_ =	sdelay $0x3  }
0x93: {  	_ =	strace s4  }
0x94: {  	s4 =	sld [smem:$0x3FFC];
	_ =	sdelay $0x3  }
0x95: {  	_ =	strace s4  }
0x96: {  	s4 =	sld [smem:$0x3FFD];
	_ =	sdelay $0x3  }
0x97: {  	_ =	strace s4  }
0x98: {  	_ =	strace $0x8FFFFFFF  }
0x99: {  	s19 =	sld [smem:$0x3FDB];
	_ =	sdelay $0x1  }
0x9a: {  	s5 =	simm.s32 $_scs_section_size  }
0x9b: {  	s6 =	simm.s32 $_size__tile_overlayer_lowered;
	s7 =	simm.s32 $_tile_overlayer_lowered  }
0x9c: {  	s22 =	simm.s32 $0x1BFF;
	s21 =	sshll.u32 s7, $0x1;
	s4 =	sadd.s32 s5, s19  }
0x9d: {  	s8 =	simm.s32 $0x0;
	s20 =	sshll.u32 s6, $0x1;
	s6 =	sadd.s32 s21, s4  }
0x9e: {  	[timem:s8], [sflag:s22] =	dma.local [hbm:s6], s20  }
0x9f: {  	_ =	swait.ge [sflag:s22], s20  }
0xa0: {  	s5 =	ssub.s32 $0x0, s20;
	[sflag:s22] =	ssyncset.done $0x0  }
0xa1: {  	[sflag:s22] =	ssyncadd.s32 s5;
	_ =	sdelay $0x1  }
0xa2: {  	s23 =	simm.s32 $0x1B8B  }
0xa3: {  	_ =	swait.ge [sflag:s23], $0x1  }
0xa4: {  	[sflag:s23] =	ssyncset.done $0x0  }
0xa5: {  	s25 =	simm.s32 $0x1B8E;
	s24 =	sld [smem:$0x3FFE];
	[sflag:s23] =	ssyncadd.s32 $0xFFFFFFFF  }
0xa6: {  	s26 =	simm.s32 $execute0_lowered;
	[smem:$0x3FD2] =	sst s25  }
0xa7: {  	s6 =	sshll.u32 s26, $0x1;
	_ =	strace $0x80000046;
	[dreg:$0x1] =	wrdreg $0xFFFFFFFF  }
0xa8: {  	s28 =	simm.s32 $_size_execute0_lowered;
	s4 =	sadd.s32 s4, s6;
	[dreg:$0x0] =	wrdreg $0x0  }
0xa9: {  	s6 =	sshll.u32 s28, $0x1;
	[dreg:$0x2] =	wrdreg s4  }
0xaa: {  	[dreg:$0x3] =	wrdreg s6  }
0xab: {  	[dreg:$0x4] =	wrdreg $0xC0  }
0xac: {  	_ =	task [dreg:s8], $0x5FFFF  }
0xad: {  	[dreg:$0x1] =	wrdreg $0xFFFFFFFF  }
0xae: {  	[dreg:$0x0] =	wrdreg $0x60  }
0xaf: {  	[dreg:$0x2] =	wrdreg s18  }
0xb0: {  	[dreg:$0x3] =	wrdreg s2  }
0xb1: {  	[dreg:$0x4] =	wrdreg s24  }
0xb2: {  	[dreg:$0x5] =	wrdreg $0x102000  }
0xb3: {  	[dreg:$0x6] =	wrdreg $0x9  }
0xb4: {  	_ =	task.clear_ibuf [dreg:s8], $0x7FFFF;
	_ =	strace $0x90000046  }
0xb5: {  	s29 =	simm.s32 $0x9;
	_ =	strace $0x80000048  }
0xb6: {  	_ =	swait.ge [sflag:s29], $0x1  }
0xb7: {  	[sflag:s29] =	ssyncadd.s32 $0xFFFFFFFF  }
0xb8: {  	_ =	strace $0x90000048  }
0xb9: {  	_ =	sfence  }
0xba: {  	s30 =	sld [smem:$0x0];
	_ =	sdelay $0x2  }
0xbb: {  	s31 =	sshll.u32 s1, $0xD;
	s1 =	sshrl.u32 s1, $0x2  }
0xbc: {  	s3 =	sand.u32 $0x4000, s31;
	s1 =	sadd.s32 s1, s30  }
0xbd: {  	s0 =	sor.u32 s3, s0;
	s1 =	sshll.u32 s1, $0x11  }
0xbe: {  	s0 =	sor.u32 s1, s0  }
0xbf: {  	s0 =	sadd.s32 $0x8F2B, s0  }
0xc0: {  	[sflag:s0] =	ssyncadd.remote.s32 $0x1  }
0xc1: {  	_ =	sfence.sel $0xFFFF  }
0xc2: {  	[dreg:$0x0] =	wrdreg $0xFFFFFFFF;
	(pc) =	sbr.abs _section_cstart, $3  }
0xc3: {  	[dreg:$0x1] =	wrdreg $0xFFFFFFFF  }
0xc4: {  	_ =	task.clear_ibuf [dreg:s8], $0x2FFFF;
	_ =	strace $0x9FFFFFFF  }
0xc5: {  	(tm) =	ssettm $0x7FFFFFFF  }
tec
execute0_lowered:
.L_overlay_start_1:
0x0: {  	(tag) =	ssettag $0x1  }
0x1: {  	s5 =	rddreg [dreg:$0x0]  }
0x2: {  	s3 =	rddreg [dreg:$0x1]  }
0x3: {  	s4 =	rddreg [dreg:$0x2]  }
0x4: {  	s2 =	rddreg [dreg:$0x3]  }
0x5: {  	s1 =	srdreg.scid;
	s0 =	rddreg [dreg:$0x4]  }
0x6: {  	s8 =	stileid.u32;
	s21 =	simm.s32 $0x9;
	s19 =	simm.s32 $0x80  }
0x7: {  	s16 =	simm.s32 $0x200;
	s14 =	simm.s32 $0x4200;
	s22 =	simm.s32 $0x100  }
0x8: {  	s12 =	simm.s32 $0x8200;
	s24 =	simm.s32 $0x180;
	s6 =	sand.u32 $0x1, s1  }
0x9: {  	s23 =	simm.s32 $0x1;
	s9 =	sshll.u32 s6, $0x9;
	s6 =	ssub.s32 $0x2, s6  }
0xa: {  	s20 =	simm.s32 $0x2;
	s17 =	simm.s32 $0x3;
	s10 =	sshrl.u32 s6, $0x1  }
0xb: {  	s15 =	simm.s32 $0x4;
	s13 =	simm.s32 $0x5;
	s10 =	ssub.s32 s6, s10  }
0xc: {  	s11 =	simm.s32 $0x6;
	p1 =	por $0x0, $0x0;
	s31 =	smax.u32 s10, $0x1  }
0xd: {  	s1 =	simm.s32 $0x0;
	s7 =	sshll.u32 s8, $0xA;
	s29 =	sadd.s32 $0xFFFFFFFF, s31  }
0xe: {  	p0 =	sne.s32 s8, $0x0;
	s8 =	simm.s32 $0x8;
	p2 =	sne.s32 s29, $0x0  }
.Ltmp0:
0xf: {  	[smem:$0x7FF] =	sst s1;
	s7 =	sor.u32 s9, s7;
	(pc) =	sbr.rel @!p2 .LBB2_3-.Ltmp0, $4  }
0x10: {  	s25 =	sshrl.u32 @!p0 s2, $0x3;
	s9 =	sshll.u32 s7, $0x4;
	s30 =	sshrl.u32 s7, $0x3  }
0x11: {  	_ =	strace $0x80000047;
	s9 =	sadd.s32 s9, s4;
	s18 =	sadd.s32 s3, s30  }
0x12: {  	s10 =	simm.s32 $0x7;
	s7 =	sadd.s32 $0x400, s9;
	s6 =	sadd.s32 $0xC00, s9  }
0x13: {  	s4 =	sadd.s32 $0x1400, s9;
	s3 =	sadd.s32 $0x1C00, s9;
	s9 =	simm.s32 $0xC200  }
0x14: {  	s26 =	simm.s32 @!p0 $0x1C09;
	s28 =	simm.s32 @!p0 $0x9  }
0x15: {  	[spmem:s25], [sflag:s26] =	dma.local @!p0 [hbm:s5], $0x3E80  }
0x16: {  	_ =	swait.ge @!p0 [sflag:s28], $0x3E80  }
0x17: {  	[sflag:s28] =	ssyncset.done @!p0 $0x0  }
0x18: {  	[sflag:s28] =	ssyncadd.s32 @!p0 $0xFFFFC180  }
0x19: {  	[tilespmem:s1], [sflag:$0x9] =	stream.linear.gather [hbm4b:s18+s1], $0x200, $0x38;
	[tilespmem:$0x12140] =	vst v63  }
0x1a: {  	_ =	swait.ge [sflag:s21], $0x200  }
0x1b: {  	[sflag:s21] =	ssyncset.done $0x0  }
0x1c: {  	[sflag:s21] =	ssyncadd.s32 $0xFFFFFE00  }
0x1d: {  	[bflag:$0x0] =	sbarrier.arrive $0xFFFF  }
0x1e: {  	[tilespmem:s16], [sflag:$0x1] =	stream.indirect.gather [spmem:s2], $0x80, s1, s19, $0xb8;
	[tilespmem:$0x12140] =	vst v63  }
0x1f: {  	_ = 	snop  }
0x20: {  	[tilespmem:s14], [sflag:$0x2] =	stream.indirect.gather [spmem:s2], $0x80, s19, s19, $0xb8;
	[tilespmem:$0x12140] =	vst v63  }
0x21: {  	_ = 	snop  }
0x22: {  	[tilespmem:s12], [sflag:$0x3] =	stream.indirect.gather [spmem:s2], $0x80, s22, s19, $0xb8;
	[tilespmem:$0x12140] =	vst v63  }
0x23: {  	_ = 	snop  }
0x24: {  	[tilespmem:s9], [sflag:$0x4] =	stream.indirect.gather [spmem:s2], $0x80, s24, s19, $0xb8;
	[tilespmem:$0x12140] =	vst v63  }
0x25: {  	_ =	swait.ge [sflag:s23], $0x4000  }
0x26: {  	[sflag:s23] =	ssyncset.done $0x0  }
0x27: {  	[sflag:s23] =	ssyncadd.s32 $0xFFFFC000  }
0x28: {  	[hbm4b:s7+s1] =	stream.linear.scatter [tilespmem:s16], [sflag:$0x5], $0x4000, $0x38;
	[tilespmem:$0x12140] =	vst v63  }
0x29: {  	_ =	swait.ge [sflag:s20], $0x4000  }
0x2a: {  	[sflag:s20] =	ssyncset.done $0x0  }
0x2b: {  	[sflag:s20] =	ssyncadd.s32 $0xFFFFC000  }
0x2c: {  	[hbm4b:s6+s1] =	stream.linear.scatter [tilespmem:s14], [sflag:$0x6], $0x4000, $0x38;
	[tilespmem:$0x12140] =	vst v63  }
0x2d: {  	_ =	swait.ge [sflag:s17], $0x4000  }
0x2e: {  	[sflag:s17] =	ssyncset.done $0x0  }
0x2f: {  	[sflag:s17] =	ssyncadd.s32 $0xFFFFC000  }
0x30: {  	[hbm4b:s4+s1] =	stream.linear.scatter [tilespmem:s12], [sflag:$0x7], $0x4000, $0x38;
	[tilespmem:$0x12140] =	vst v63  }
0x31: {  	_ =	swait.ge [sflag:s15], $0x4000  }
0x32: {  	[sflag:s15] =	ssyncset.done $0x0  }
0x33: {  	[sflag:s15] =	ssyncadd.s32 $0xFFFFC000  }
0x34: {  	[hbm4b:s3+s1] =	stream.linear.scatter [tilespmem:s9], [sflag:$0x8], $0x4000, $0x38;
	[tilespmem:$0x12140] =	vst v63  }
0x35: {  	_ =	swait.ge [sflag:s13], $0x4000  }
0x36: {  	[sflag:s13] =	ssyncset.done $0x0  }
0x37: {  	[sflag:s13] =	ssyncadd.s32 $0xFFFFC000  }
0x38: {  	_ =	swait.ge [sflag:s11], $0x4000  }
0x39: {  	s29 =	sadd.s32 $0xFFFFFFFF, s29;
	[sflag:s11] =	ssyncset.done $0x0  }
0x3a: {  	p2 =	sne.s32 s29, $0x0;
	[sflag:s11] =	ssyncadd.s32 $0xFFFFC000  }
.Ltmp1:
0x3b: {  	_ =	swait.ge [sflag:s10], $0x4000;
	(pc) =	sbr.rel @!p2 .LBB2_3-.Ltmp1, $4  }
0x3c: {  	[sflag:s10] =	ssyncset.done $0x0  }
0x3d: {  	[sflag:s10] =	ssyncadd.s32 $0xFFFFC000  }
0x3e: {  	_ =	swait.ge [sflag:s8], $0x4000  }
0x3f: {  	p1 =	por $0x1, $0x1;
	[sflag:s8] =	ssyncset.done $0x0  }
.LBB2_2:
0x40: {  	[sflag:s8] =	ssyncadd.s32 $0xFFFFC000  }
0x41: {  	[spmem:s25], [sflag:s26] =	dma.local @!p0 [hbm:s5], $0x3E80  }
0x42: {  	s29 =	sadd.s32 $0xFFFFFFFF, s29;
	_ =	swait.ge @!p0 [sflag:s28], $0x3E80  }
0x43: {  	p2 =	sne.s32 s29, $0x0;
	[sflag:s28] =	ssyncset.done @!p0 $0x0  }
0x44: {  	[sflag:s28] =	ssyncadd.s32 @!p0 $0xFFFFC180  }
0x45: {  	[tilespmem:s1], [sflag:$0x9] =	stream.linear.gather [hbm4b:s18+s1], $0x200, $0x38;
	[tilespmem:$0x12140] =	vst v63  }
0x46: {  	_ =	swait.ge [sflag:s21], $0x200  }
0x47: {  	[sflag:s21] =	ssyncset.done $0x0  }
0x48: {  	[sflag:s21] =	ssyncadd.s32 $0xFFFFFE00  }
0x49: {  	[bflag:$0x0] =	sbarrier.arrive $0xFFFF  }
0x4a: {  	[tilespmem:s16], [sflag:$0x1] =	stream.indirect.gather [spmem:s2], $0x80, s1, s19, $0xb8;
	[tilespmem:$0x12140] =	vst v63  }
0x4b: {  	_ = 	snop  }
0x4c: {  	[tilespmem:s14], [sflag:$0x2] =	stream.indirect.gather [spmem:s2], $0x80, s19, s19, $0xb8;
	[tilespmem:$0x12140] =	vst v63  }
0x4d: {  	_ = 	snop  }
0x4e: {  	[tilespmem:s12], [sflag:$0x3] =	stream.indirect.gather [spmem:s2], $0x80, s22, s19, $0xb8;
	[tilespmem:$0x12140] =	vst v63  }
0x4f: {  	_ = 	snop  }
0x50: {  	[tilespmem:s9], [sflag:$0x4] =	stream.indirect.gather [spmem:s2], $0x80, s24, s19, $0xb8;
	[tilespmem:$0x12140] =	vst v63  }
0x51: {  	_ =	swait.ge [sflag:s23], $0x4000  }
0x52: {  	[sflag:s23] =	ssyncset.done $0x0  }
0x53: {  	[sflag:s23] =	ssyncadd.s32 $0xFFFFC000  }
0x54: {  	[hbm4b:s7+s1] =	stream.linear.scatter [tilespmem:s16], [sflag:$0x5], $0x4000, $0x38;
	[tilespmem:$0x12140] =	vst v63  }
0x55: {  	_ =	swait.ge [sflag:s20], $0x4000  }
0x56: {  	[sflag:s20] =	ssyncset.done $0x0  }
0x57: {  	[sflag:s20] =	ssyncadd.s32 $0xFFFFC000  }
0x58: {  	[hbm4b:s6+s1] =	stream.linear.scatter [tilespmem:s14], [sflag:$0x6], $0x4000, $0x38;
	[tilespmem:$0x12140] =	vst v63  }
0x59: {  	_ =	swait.ge [sflag:s17], $0x4000  }
0x5a: {  	[sflag:s17] =	ssyncset.done $0x0  }
0x5b: {  	[sflag:s17] =	ssyncadd.s32 $0xFFFFC000  }
0x5c: {  	[hbm4b:s4+s1] =	stream.linear.scatter [tilespmem:s12], [sflag:$0x7], $0x4000, $0x38;
	[tilespmem:$0x12140] =	vst v63  }
0x5d: {  	_ =	swait.ge [sflag:s15], $0x4000  }
0x5e: {  	[sflag:s15] =	ssyncset.done $0x0  }
0x5f: {  	[sflag:s15] =	ssyncadd.s32 $0xFFFFC000  }
0x60: {  	[hbm4b:s3+s1] =	stream.linear.scatter [tilespmem:s9], [sflag:$0x8], $0x4000, $0x38;
	[tilespmem:$0x12140] =	vst v63  }
0x61: {  	_ =	swait.ge [sflag:s13], $0x4000  }
0x62: {  	[sflag:s13] =	ssyncset.done $0x0  }
0x63: {  	[sflag:s13] =	ssyncadd.s32 $0xFFFFC000  }
0x64: {  	_ =	swait.ge [sflag:s11], $0x4000  }
0x65: {  	[sflag:s11] =	ssyncset.done $0x0  }
0x66: {  	[sflag:s11] =	ssyncadd.s32 $0xFFFFC000  }
.Ltmp2:
0x67: {  	_ =	swait.ge [sflag:s10], $0x4000;
	(pc) =	sbr.rel @p2 .LBB2_2-.Ltmp2, $4  }
0x68: {  	[sflag:s10] =	ssyncset.done $0x0  }
0x69: {  	[sflag:s10] =	ssyncadd.s32 $0xFFFFC000  }
0x6a: {  	_ =	swait.ge [sflag:s8], $0x4000  }
0x6b: {  	[sflag:s8] =	ssyncset.done $0x0  }
.LBB2_3:
0x6c: {  	[sflag:s8] =	ssyncadd.s32 @p1 $0xFFFFC000;
	s26 =	simm.s32 @!p0 $0x1C09  }
0x6d: {  	[spmem:s25], [sflag:s26] =	dma.local @!p0 [hbm:s5], $0x3E80  }
0x6e: {  	s5 =	simm.s32 @!p0 $0x9  }
0x6f: {  	_ =	swait.ge @!p0 [sflag:s5], $0x3E80  }
0x70: {  	[sflag:s5] =	ssyncset.done @!p0 $0x0  }
0x71: {  	[sflag:s5] =	ssyncadd.s32 @!p0 $0xFFFFC180  }
0x72: {  	[tilespmem:s1], [sflag:$0x9] =	stream.linear.gather [hbm4b:s18+s1], $0x200, $0x38;
	[tilespmem:$0x12140] =	vst v63  }
0x73: {  	_ =	swait.ge [sflag:s21], $0x200  }
0x74: {  	[sflag:s21] =	ssyncset.done $0x0  }
0x75: {  	[sflag:s21] =	ssyncadd.s32 $0xFFFFFE00  }
0x76: {  	[bflag:$0x0] =	sbarrier.arrive $0xFFFF  }
0x77: {  	[tilespmem:s16], [sflag:$0x1] =	stream.indirect.gather [spmem:s2], $0x80, s1, s19, $0xb8;
	[tilespmem:$0x12140] =	vst v63  }
0x78: {  	_ = 	snop  }
0x79: {  	[tilespmem:s14], [sflag:$0x2] =	stream.indirect.gather [spmem:s2], $0x80, s19, s19, $0xb8;
	[tilespmem:$0x12140] =	vst v63  }
0x7a: {  	_ = 	snop  }
0x7b: {  	[tilespmem:s12], [sflag:$0x3] =	stream.indirect.gather [spmem:s2], $0x80, s22, s19, $0xb8;
	[tilespmem:$0x12140] =	vst v63  }
0x7c: {  	_ = 	snop  }
0x7d: {  	[tilespmem:s9], [sflag:$0x4] =	stream.indirect.gather [spmem:s2], $0x80, s24, s19, $0xb8;
	[tilespmem:$0x12140] =	vst v63  }
0x7e: {  	_ =	swait.ge [sflag:s23], $0x4000  }
0x7f: {  	[sflag:s23] =	ssyncset.done $0x0  }
0x80: {  	[sflag:s23] =	ssyncadd.s32 $0xFFFFC000  }
0x81: {  	[hbm4b:s7+s1] =	stream.linear.scatter [tilespmem:s16], [sflag:$0x5], $0x4000, $0x38;
	[tilespmem:$0x12140] =	vst v63  }
0x82: {  	_ =	swait.ge [sflag:s20], $0x4000  }
0x83: {  	[sflag:s20] =	ssyncset.done $0x0  }
0x84: {  	[sflag:s20] =	ssyncadd.s32 $0xFFFFC000  }
0x85: {  	[hbm4b:s6+s1] =	stream.linear.scatter [tilespmem:s14], [sflag:$0x6], $0x4000, $0x38;
	[tilespmem:$0x12140] =	vst v63  }
0x86: {  	_ =	swait.ge [sflag:s17], $0x4000  }
0x87: {  	[sflag:s17] =	ssyncset.done $0x0  }
0x88: {  	[sflag:s17] =	ssyncadd.s32 $0xFFFFC000  }
0x89: {  	[hbm4b:s4+s1] =	stream.linear.scatter [tilespmem:s12], [sflag:$0x7], $0x4000, $0x38;
	[tilespmem:$0x12140] =	vst v63  }
0x8a: {  	_ =	swait.ge [sflag:s15], $0x4000  }
0x8b: {  	[sflag:s15] =	ssyncset.done $0x0  }
0x8c: {  	[sflag:s15] =	ssyncadd.s32 $0xFFFFC000  }
0x8d: {  	[hbm4b:s3+s1] =	stream.linear.scatter [tilespmem:s9], [sflag:$0x8], $0x4000, $0x38;
	[tilespmem:$0x12140] =	vst v63  }
0x8e: {  	_ =	swait.ge [sflag:s13], $0x4000  }
0x8f: {  	[sflag:s13] =	ssyncset.done $0x0  }
0x90: {  	[sflag:s13] =	ssyncadd.s32 $0xFFFFC000  }
0x91: {  	_ =	swait.ge [sflag:s11], $0x4000  }
0x92: {  	[sflag:s11] =	ssyncset.done $0x0  }
0x93: {  	[sflag:s11] =	ssyncadd.s32 $0xFFFFC000  }
0x94: {  	_ =	swait.ge [sflag:s10], $0x4000  }
0x95: {  	[sflag:s10] =	ssyncset.done $0x0  }
0x96: {  	[sflag:s10] =	ssyncadd.s32 $0xFFFFC000  }
0x97: {  	_ =	swait.ge [sflag:s8], $0x4000  }
0x98: {  	[sflag:s8] =	ssyncset.done $0x0  }
0x99: {  	[sflag:s8] =	ssyncadd.s32 $0xFFFFC000  }
0x9a: {  	_ =	sfence.sel $0x180000  }
0x9b: {  	[bflag:$0x0] =	sbarrier.arrive $0xFFFF  }
0x9c: {  	_ =	strace $0x90000047  }
0x9d: {  	s0 =	sadd.s32 @!p0 $0x100000, s0;
	[bflag:$0x2] =	sbarrier.arrive $0xFFFF  }
0x9e: {  	[sflag:s0] =	ssyncadd.tile.s32 @!p0 $0x1;
	_ =	shalt  }
.Lfunc_end2:
_tile_overlayer_lowered:
.L_overlay_start_2:
0x9f: {  	(tag) =	ssettag $0x2  }
0xa0: {  	s0 =	rddreg [dreg:$0x0];
	s2 =	stileid.u32  }
0xa1: {  	s1 =	rddreg [dreg:$0x1];
	p0 =	sne.s32 s2, $0x0  }
0xa2: {  	s3 =	rddreg [dreg:$0x2];
	[bflag:$0x3] =	sbarrier.arrive $0xFFFF;
	s2 =	simm.s32 @!p0 $0x1C09  }
0xa3: {  	[timem:s3], [sflag:s2] =	dma.local @!p0 [hbm:s0], s1  }
0xa4: {  	s0 =	simm.s32 @!p0 $0x9  }
0xa5: {  	_ =	swait.ge @!p0 [sflag:s0], s1  }
0xa6: {  	s1 =	ssub.s32 @!p0 $0x0, s1;
	[sflag:s0] =	ssyncset.done @!p0 $0x0  }
0xa7: {  	[sflag:s0] =	ssyncadd.s32 @!p0 s1  }
0xa8: {  	[bflag:$0x3] =	sbarrier.arrive $0xFFFF  }
0xa9: {  	_ =	shalt  }

</sc_bundles>
